<compile_context>
chip_gen: v7x
topology: tpu7x:2x2x1
jax: 0.10.2.dev20260603
libtpu: 0.0.44.dev20260713+nightly
codegen_flags: <defaults>
</compile_context>

<pallas_src>
import functools

import jax
import jax.numpy as jnp
from jax import lax
from jax.experimental import pallas as pl
from jax.experimental.pallas import tpu as pltpu
from jax.experimental.pallas import tpu_sc as plsc

NC = 2
NS = 16
NW = NC * NS
L = 16


def _proj_body(x_ref, w_ref, al_ref, ar_ref, g_ref):
    w = w_ref[...]
    wl = w[:, 0:1] * al_ref[0] + w[:, 1:2] * al_ref[1]
    wr = w[:, 0:1] * ar_ref[0] + w[:, 1:2] * ar_ref[1]
    wcat = jnp.concatenate([w, wl, wr], axis=1)
    g_ref[...] = lax.dot_general(
        wcat, x_ref[...], (((0,), (1,)), ((), ())),
        preferred_element_type=jnp.float32)


def _edge_body(n, npad, e, e_per_w, g_hbm, ei_hbm, out_hbm,
               g_v, acc_v, src_v, dst_v, sem):
    cid = lax.axis_index("c")
    sid = lax.axis_index("s")
    wid = sid * NC + cid
    base = wid * e_per_w

    c1 = pltpu.async_copy(ei_hbm.at[pl.ds(base, e_per_w)], src_v, sem)
    c2 = pltpu.async_copy(ei_hbm.at[pl.ds(e + base, e_per_w)], dst_v, sem)
    c3 = pltpu.async_copy(g_hbm, g_v, sem)

    @plsc.parallel_loop(0, 3 * npad, step=L, unroll=8)
    def _zero(i):
        acc_v[pl.ds(i, L)] = jnp.zeros((L,), jnp.float32)

    c1.wait()
    c2.wait()
    c3.wait()

    @plsc.parallel_loop(0, e_per_w, step=L, unroll=8)
    def edge_group(i):
        s = src_v[pl.ds(i, L)]
        d = dst_v[pl.ds(i, L)]
        h0 = plsc.load_gather(g_v, [s])
        h1 = plsc.load_gather(g_v, [s + n])
        el = plsc.load_gather(g_v, [s + 2 * n])
        er = plsc.load_gather(g_v, [d + 3 * n])
        ee = el + er
        ee = jnp.where(ee >= 0.0, ee, ee * 0.2)
        w = jnp.exp(ee)
        plsc.addupdate_scatter(acc_v, [d], w)
        plsc.addupdate_scatter(acc_v, [d + npad], w * h0)
        plsc.addupdate_scatter(acc_v, [d + 2 * npad], w * h1)

    pltpu.sync_copy(acc_v, out_hbm.at[wid])


def _final_body(npad, bn, x_ref, nz_ref, b_ref, p_ref, o_ref):
    col = pl.program_id(0) * bn
    den = jnp.sum(p_ref[:, pl.ds(col, bn)], axis=0,
                  keepdims=True) + 1e-9
    n0 = jnp.sum(p_ref[:, pl.ds(col + npad, bn)], axis=0, keepdims=True)
    n1 = jnp.sum(p_ref[:, pl.ds(col + 2 * npad, bn)], axis=0, keepdims=True)
    std = jnp.maximum(n0 / den + b_ref[0], 0.0)
    mean = jnp.maximum(n1 / den + b_ref[1], 0.0)
    z = nz_ref[...] * std.T + mean.T
    gate = 1.0 / (1.0 + jnp.exp(-z))
    o_ref[...] = x_ref[...] * gate


def kernel(input, edge_index, degree, W, attn_l, attn_r, bias, noise_x):
    x = input
    n, d = x.shape
    e = edge_index.shape[1]
    ei_flat = edge_index.astype(jnp.int32).reshape(-1)

    bn = 2048
    grid = pl.cdiv(n, bn)
    npad = bn * grid
    e_per_w = e // NW

    g = pl.pallas_call(
        _proj_body,
        grid=(grid,),
        in_specs=[
            pl.BlockSpec((bn, d), lambda i: (i, 0)),
            pl.BlockSpec((d, 2), lambda i: (0, 0)),
            pl.BlockSpec(memory_space=pltpu.SMEM),
            pl.BlockSpec(memory_space=pltpu.SMEM),
        ],
        out_specs=pl.BlockSpec((4, bn), lambda i: (0, i)),
        out_shape=jax.ShapeDtypeStruct((4, n), jnp.float32),
    )(x, W, attn_l, attn_r)

    mesh = plsc.VectorSubcoreMesh(core_axis_name="c", subcore_axis_name="s")
    partials = pl.kernel(
        functools.partial(_edge_body, n, npad, e, e_per_w),
        out_type=jax.ShapeDtypeStruct((NW, 3 * npad), jnp.float32),
        mesh=mesh,
        scratch_types=[
            pltpu.VMEM((4 * n,), jnp.float32),
            pltpu.VMEM((3 * npad,), jnp.float32),
            pltpu.VMEM((e_per_w,), jnp.int32),
            pltpu.VMEM((e_per_w,), jnp.int32),
            pltpu.SemaphoreType.DMA,
        ],
        compiler_params=pltpu.CompilerParams(needs_layout_passes=False),
    )(g.reshape(-1), ei_flat)

    out = pl.pallas_call(
        functools.partial(_final_body, npad, bn),
        grid=(grid,),
        in_specs=[
            pl.BlockSpec((bn, d), lambda i: (i, 0)),
            pl.BlockSpec((bn, 1), lambda i: (i, 0)),
            pl.BlockSpec(memory_space=pltpu.SMEM),
            pl.BlockSpec((NW, 3 * npad), lambda i: (0, 0)),
        ],
        out_specs=pl.BlockSpec((bn, d), lambda i: (i, 0)),
        out_shape=jax.ShapeDtypeStruct((n, d), jnp.float32),
    )(x, noise_x, bias, partials)
    return out

# --- scband reference (transcript-rebuilt; emitter-appended) ---
"""Pipeline reference for scband-snrmodule-85280870630034 (READ-ONLY COPY).

The authoritative reference and input builder live on the scoring server;
editing this copy changes nothing except your own understanding.
"""

import jax, jax.numpy as jnp
import numpy as np

N = 10000
E = 320000
D = 128


def setup_inputs(seed: int = 0) -> dict:
    key = jax.random.key(seed)
    ks = jax.random.split(key, 8)
    x = jax.random.normal(ks[0], (N, D), dtype=jnp.float32)
    edge_index = jax.random.randint(ks[1], (2, E), 0, N, dtype=jnp.int64)
    degree = jnp.ones((N, 1), dtype=jnp.float32)
    # GATConv(n_hid=128, out=2, num_heads=1) parameters
    W = jax.random.normal(ks[2], (D, 2), dtype=jnp.float32) * 0.1
    attn_l = jax.random.normal(ks[3], (2,), dtype=jnp.float32) * 0.1
    attn_r = jax.random.normal(ks[4], (2,), dtype=jnp.float32) * 0.1
    bias = jnp.zeros((2,), dtype=jnp.float32)
    # stands in for the per-forward torch.randn(nodes_num, 1) noise
    noise_x = jax.random.normal(ks[5], (N, 1), dtype=jnp.float32)
    return {
        "input": x,
        "edge_index": edge_index,
        "degree": degree,
        "W": W,
        "attn_l": attn_l,
        "attn_r": attn_r,
        "bias": bias,
        "noise_x": noise_x,
    }


def _gat_conv(x, edge_index, W, attn_l, attn_r, bias):
    src = edge_index[0]
    dst = edge_index[1]
    h = x @ W  # [N, 2]
    el = jnp.sum(h * attn_l, axis=-1)  # [N]
    er = jnp.sum(h * attn_r, axis=-1)  # [N]
    e = jax.nn.leaky_relu(el[src] + er[dst], negative_slope=0.2)  # [E]
    # per-dst softmax over incoming edges (numerically stable)
    m = jax.ops.segment_max(e, dst, num_segments=N)
    m = jnp.where(jnp.isfinite(m), m, 0.0)
    ee = jnp.exp(e - m[dst])
    denom = jax.ops.segment_sum(ee, dst, num_segments=N)
    alpha = ee / (denom[dst] + 1e-9)
    out = jax.ops.segment_sum(alpha[:, None] * h[src], dst, num_segments=N)
    return out + bias  # [N, 2] (num_heads=1, mean over head dim is identity)


def reference(input, edge_index, degree, W, attn_l, attn_r, bias, noise_x):
    coff_gat = _gat_conv(input, edge_index, W, attn_l, attn_r, bias)  # [N, 2]
    std = jax.nn.relu(coff_gat[:, 0:1])   # [N, 1]
    mean = jax.nn.relu(coff_gat[:, 1:2])  # [N, 1]
    y = jnp.ones((N, 1), dtype=input.dtype)
    return input * jax.nn.sigmoid(noise_x * std + y * mean)

if __name__ == "__main__":
    import jax
    _d = setup_inputs()
    print(jax.jit(kernel)(*tuple(_d.values())))

</pallas_src>

<mosaic_0001>
#map = affine_map<(d0, d1) -> (0)>
#map1 = affine_map<(d0, d1) -> (0, 0)>
module attributes {stable_mosaic.version = 14 : i64} {
  func.func @_edge_body(%arg0: i32, %arg1: i32, %arg2: memref<40000xf32, #tpu.memory_space<hbm>>, %arg3: memref<640000xi32, #tpu.memory_space<hbm>>, %arg4: memref<32x30720xf32, #tpu.memory_space<hbm>>, %arg5: memref<40000xf32, #tpu.memory_space<vmem>>, %arg6: memref<30720xf32, #tpu.memory_space<vmem>>, %arg7: memref<10000xi32, #tpu.memory_space<vmem>>, %arg8: memref<10000xi32, #tpu.memory_space<vmem>>, %arg9: memref<!tpu.dma_semaphore, #tpu.memory_space<semaphore_mem>>) attributes {dimension_semantics = [#tpu.dimension_semantics<core_parallel>, #tpu.dimension_semantics<subcore_parallel>], iteration_bounds = array<i64: 2, 16>, scalar_prefetch = 0 : i64, scratch_operands = 5 : i64, tpu.core_type = #tpu.core_type<sc_vector_subcore>, window_params = [{transform_indices = #map}, {transform_indices = #map}, {transform_indices = #map1}]} {
    %mul3A = arith.constant 2 : i32
    %mul3A_0 = arith.muli %arg1, %mul3A : i32
    %add3A = arith.addi %mul3A_0, %arg0 : i32
    %mul3A_1 = arith.constant 10000 : i32
    %mul3A_2 = arith.muli %add3A, %mul3A_1 : i32
    %dma_start3A = tpu.memref_slice %arg3[%mul3A_2] : memref<640000xi32, #tpu.memory_space<hbm>> -> memref<10000xi32, #tpu.memory_space<hbm>>
    %dma_start3A_3 = tpu.memref_slice %arg3[%mul3A_2] : memref<640000xi32, #tpu.memory_space<hbm>> -> memref<10000xi32, #tpu.memory_space<hbm>>
    tpu.enqueue_dma source(%dma_start3A_3 : memref<10000xi32, #tpu.memory_space<hbm>>) target(%arg7 : memref<10000xi32, #tpu.memory_space<vmem>>) target_semaphore(%arg9 : memref<!tpu.dma_semaphore, #tpu.memory_space<semaphore_mem>>)
    %add3A_4 = arith.constant 320000 : i32
    %add3A_5 = arith.addi %add3A_4, %mul3A_2 : i32
    %dma_start3A_6 = tpu.memref_slice %arg3[%add3A_5] : memref<640000xi32, #tpu.memory_space<hbm>> -> memref<10000xi32, #tpu.memory_space<hbm>>
    %dma_start3A_7 = tpu.memref_slice %arg3[%add3A_5] : memref<640000xi32, #tpu.memory_space<hbm>> -> memref<10000xi32, #tpu.memory_space<hbm>>
    tpu.enqueue_dma source(%dma_start3A_7 : memref<10000xi32, #tpu.memory_space<hbm>>) target(%arg8 : memref<10000xi32, #tpu.memory_space<vmem>>) target_semaphore(%arg9 : memref<!tpu.dma_semaphore, #tpu.memory_space<semaphore_mem>>)
    tpu.enqueue_dma source(%arg2 : memref<40000xf32, #tpu.memory_space<hbm>>) target(%arg5 : memref<40000xf32, #tpu.memory_space<vmem>>) target_semaphore(%arg9 : memref<!tpu.dma_semaphore, #tpu.memory_space<semaphore_mem>>)
    %parallel_loop3A = arith.constant 0 : i32
    %parallel_loop3A_8 = arith.constant 30720 : i32
    %parallel_loop3A_9 = arith.constant 16 : i32
    scf.for %parallel_loop3A_16 = %parallel_loop3A to %parallel_loop3A_8 step %parallel_loop3A_9  : i32 {
      %parallel_loop3A_17 = arith.constant 0.000000e+00 : f32
      %parallel_loop3A_18 = vector.broadcast %parallel_loop3A_17 : f32 to vector<16xf32>
      %parallel_loop3A_19 = arith.index_cast %parallel_loop3A_16 : i32 to index
      %parallel_loop3A_20 = tpu.vector_load %arg6[%parallel_loop3A_19] {strides = array<i32>} : memref<30720xf32, #tpu.memory_space<vmem>>, vector<16xf32>,
      tpu.vector_store %arg6[%parallel_loop3A_19], %parallel_loop3A_18 {strides = array<i32>} : memref<30720xf32, #tpu.memory_space<vmem>>, vector<16xf32>,
    } {sc.loop_unroll_factor = 8 : i64, sc.parallel_access}
    %dma_wait3A = tpu.memref_slice %arg3[%mul3A_2] : memref<640000xi32, #tpu.memory_space<hbm>> -> memref<10000xi32, #tpu.memory_space<hbm>>
    %dma_wait3A_10 = tpu.memref_slice %arg3[%mul3A_2] : memref<640000xi32, #tpu.memory_space<hbm>> -> memref<10000xi32, #tpu.memory_space<hbm>>
    tpu.wait_dma2 semaphore(%arg9 : memref<!tpu.dma_semaphore, #tpu.memory_space<semaphore_mem>>) src(%dma_wait3A_10 : memref<10000xi32, #tpu.memory_space<hbm>>) dst(%arg7 : memref<10000xi32, #tpu.memory_space<vmem>>)
    %dma_wait3A_11 = tpu.memref_slice %arg3[%add3A_5] : memref<640000xi32, #tpu.memory_space<hbm>> -> memref<10000xi32, #tpu.memory_space<hbm>>
    %dma_wait3A_12 = tpu.memref_slice %arg3[%add3A_5] : memref<640000xi32, #tpu.memory_space<hbm>> -> memref<10000xi32, #tpu.memory_space<hbm>>
    tpu.wait_dma2 semaphore(%arg9 : memref<!tpu.dma_semaphore, #tpu.memory_space<semaphore_mem>>) src(%dma_wait3A_12 : memref<10000xi32, #tpu.memory_space<hbm>>) dst(%arg8 : memref<10000xi32, #tpu.memory_space<vmem>>)
    tpu.wait_dma2 semaphore(%arg9 : memref<!tpu.dma_semaphore, #tpu.memory_space<semaphore_mem>>) src(%arg2 : memref<40000xf32, #tpu.memory_space<hbm>>) dst(%arg5 : memref<40000xf32, #tpu.memory_space<vmem>>)
    %parallel_loop3A_13 = arith.constant 0 : i32
    %parallel_loop3A_14 = arith.constant 10000 : i32
    %parallel_loop3A_15 = arith.constant 16 : i32
    scf.for %parallel_loop3A_16 = %parallel_loop3A_13 to %parallel_loop3A_14 step %parallel_loop3A_15  : i32 {
      %parallel_loop3A_17 = arith.index_cast %parallel_loop3A_16 : i32 to index
      %parallel_loop3A_18 = tpu.vector_load %arg7[%parallel_loop3A_17] {strides = array<i32>} : memref<10000xi32, #tpu.memory_space<vmem>>, vector<16xi32>,
      %parallel_loop3A_19 = arith.index_cast %parallel_loop3A_16 : i32 to index
      %parallel_loop3A_20 = tpu.vector_load %arg8[%parallel_loop3A_19] {strides = array<i32>} : memref<10000xi32, #tpu.memory_space<vmem>>, vector<16xi32>,
      %parallel_loop3A_21 = tpu.vector_load_idx %arg5[%parallel_loop3A_18] : memref<40000xf32, #tpu.memory_space<vmem>>[vector<16xi32>], vector<16xf32>,
      %parallel_loop3A_22 = arith.constant 10000 : i32
      %parallel_loop3A_23 = vector.broadcast %parallel_loop3A_22 : i32 to vector<16xi32>
      %parallel_loop3A_24 = arith.addi %parallel_loop3A_18, %parallel_loop3A_23 : vector<16xi32>
      %parallel_loop3A_25 = tpu.vector_load_idx %arg5[%parallel_loop3A_24] : memref<40000xf32, #tpu.memory_space<vmem>>[vector<16xi32>], vector<16xf32>,
      %parallel_loop3A_26 = arith.constant 20000 : i32
      %parallel_loop3A_27 = vector.broadcast %parallel_loop3A_26 : i32 to vector<16xi32>
      %parallel_loop3A_28 = arith.addi %parallel_loop3A_18, %parallel_loop3A_27 : vector<16xi32>
      %parallel_loop3A_29 = tpu.vector_load_idx %arg5[%parallel_loop3A_28] : memref<40000xf32, #tpu.memory_space<vmem>>[vector<16xi32>], vector<16xf32>,
      %parallel_loop3A_30 = arith.constant 30000 : i32
      %parallel_loop3A_31 = vector.broadcast %parallel_loop3A_30 : i32 to vector<16xi32>
      %parallel_loop3A_32 = arith.addi %parallel_loop3A_20, %parallel_loop3A_31 : vector<16xi32>
      %parallel_loop3A_33 = tpu.vector_load_idx %arg5[%parallel_loop3A_32] : memref<40000xf32, #tpu.memory_space<vmem>>[vector<16xi32>], vector<16xf32>,
      %parallel_loop3A_34 = arith.addf %parallel_loop3A_29, %parallel_loop3A_33 : vector<16xf32>
      %parallel_loop3A_35 = arith.constant 0.000000e+00 : f32
      %parallel_loop3A_36 = vector.broadcast %parallel_loop3A_35 : f32 to vector<16xf32>
      %parallel_loop3A_37 = arith.cmpf oge, %parallel_loop3A_34, %parallel_loop3A_36 : vector<16xf32>
      %parallel_loop3A_38 = arith.constant 2.000000e-01 : f32
      %parallel_loop3A_39 = vector.broadcast %parallel_loop3A_38 : f32 to vector<16xf32>
      %parallel_loop3A_40 = arith.mulf %parallel_loop3A_34, %parallel_loop3A_39 : vector<16xf32>
      %parallel_loop3A_41 = arith.select %parallel_loop3A_37, %parallel_loop3A_34, %parallel_loop3A_40 : vector<16xi1>, vector<16xf32>
      %parallel_loop3A_42 = math.exp %parallel_loop3A_41 : vector<16xf32>
      tpu.vector_store_idx %arg6[%parallel_loop3A_20], %parallel_loop3A_42 {add = true} : memref<30720xf32, #tpu.memory_space<vmem>>[vector<16xi32>], vector<16xf32>,
      %parallel_loop3A_43 = arith.constant 10240 : i32
      %parallel_loop3A_44 = vector.broadcast %parallel_loop3A_43 : i32 to vector<16xi32>
      %parallel_loop3A_45 = arith.addi %parallel_loop3A_20, %parallel_loop3A_44 : vector<16xi32>
      %parallel_loop3A_46 = arith.mulf %parallel_loop3A_42, %parallel_loop3A_21 : vector<16xf32>
      tpu.vector_store_idx %arg6[%parallel_loop3A_45], %parallel_loop3A_46 {add = true} : memref<30720xf32, #tpu.memory_space<vmem>>[vector<16xi32>], vector<16xf32>,
      %parallel_loop3A_47 = arith.constant 20480 : i32
      %parallel_loop3A_48 = vector.broadcast %parallel_loop3A_47 : i32 to vector<16xi32>
      %parallel_loop3A_49 = arith.addi %parallel_loop3A_20, %parallel_loop3A_48 : vector<16xi32>
      %parallel_loop3A_50 = arith.mulf %parallel_loop3A_42, %parallel_loop3A_25 : vector<16xf32>
      tpu.vector_store_idx %arg6[%parallel_loop3A_49], %parallel_loop3A_50 {add = true} : memref<30720xf32, #tpu.memory_space<vmem>>[vector<16xi32>], vector<16xf32>,
    } {sc.loop_unroll_factor = 8 : i64, sc.parallel_access}
    "tpu.region"() ({
      %run_scoped3A = tpu.sem_alloc : memref<!tpu.dma_semaphore, #tpu.memory_space<semaphore_mem>>
      %dma_start3A_16 = arith.constant 0 : i32
      %dma_start3A_17 = tpu.memref_slice %arg4[%add3A, %dma_start3A_16] : memref<32x30720xf32, #tpu.memory_space<hbm>> -> memref<1x30720xf32, #tpu.memory_space<hbm>>
      %dma_start3A_18 = tpu.memref_squeeze %dma_start3A_17 : memref<1x30720xf32, #tpu.memory_space<hbm>> -> memref<30720xf32, #tpu.memory_space<hbm>>
      %dma_start3A_19 = arith.constant 0 : i32
      %dma_start3A_20 = tpu.memref_slice %arg4[%add3A, %dma_start3A_19] : memref<32x30720xf32, #tpu.memory_space<hbm>> -> memref<1x30720xf32, #tpu.memory_space<hbm>>
      %dma_start3A_21 = tpu.memref_squeeze %dma_start3A_20 : memref<1x30720xf32, #tpu.memory_space<hbm>> -> memref<30720xf32, #tpu.memory_space<hbm>>
      tpu.enqueue_dma source(%arg6 : memref<30720xf32, #tpu.memory_space<vmem>>) target(%dma_start3A_21 : memref<30720xf32, #tpu.memory_space<hbm>>) target_semaphore(%run_scoped3A : memref<!tpu.dma_semaphore, #tpu.memory_space<semaphore_mem>>)
      %dma_wait3A_22 = arith.constant 0 : i32
      %dma_wait3A_23 = tpu.memref_slice %arg4[%add3A, %dma_wait3A_22] : memref<32x30720xf32, #tpu.memory_space<hbm>> -> memref<1x30720xf32, #tpu.memory_space<hbm>>
      %dma_wait3A_24 = tpu.memref_squeeze %dma_wait3A_23 : memref<1x30720xf32, #tpu.memory_space<hbm>> -> memref<30720xf32, #tpu.memory_space<hbm>>
      %dma_wait3A_25 = arith.constant 0 : i32
      %dma_wait3A_26 = tpu.memref_slice %arg4[%add3A, %dma_wait3A_25] : memref<32x30720xf32, #tpu.memory_space<hbm>> -> memref<1x30720xf32, #tpu.memory_space<hbm>>
      %dma_wait3A_27 = tpu.memref_squeeze %dma_wait3A_26 : memref<1x30720xf32, #tpu.memory_space<hbm>> -> memref<30720xf32, #tpu.memory_space<hbm>>
      tpu.wait_dma2 semaphore(%run_scoped3A : memref<!tpu.dma_semaphore, #tpu.memory_space<semaphore_mem>>) src(%arg6 : memref<30720xf32, #tpu.memory_space<vmem>>) dst(%dma_wait3A_27 : memref<30720xf32, #tpu.memory_space<hbm>>)
      tpu.yield
    }) : () -> ()
    return
  }
}

module attributes {stable_mosaic.version = 14 : i64} {
  func.func @_proj_body(%arg0: i32, %arg1: memref<2048x128xf32, #tpu.memory_space<vmem>>, %arg2: memref<128x2xf32, #tpu.memory_space<vmem>>, %arg3: memref<2xf32, #tpu.memory_space<smem>>, %arg4: memref<2xf32, #tpu.memory_space<smem>>, %arg5: memref<4x2048xf32, #tpu.memory_space<vmem>>) attributes {dimension_semantics = [#tpu.dimension_semantics<arbitrary>], iteration_bounds = array<i64: 5>, scalar_prefetch = 0 : i64, scratch_operands = 0 : i64, tpu.core_type = #tpu.core_type<tc>, window_params = [{transform_indices = @transform_0, window_bounds = array<i64: 2048, 128>}, {pipeline_mode = #tpu.pipeline_mode<synchronous>, transform_indices = @transform_1, window_bounds = array<i64: 128, 2>}, {transform_indices = @transform_2, window_bounds = array<i64: 2>}, {transform_indices = @transform_3, window_bounds = array<i64: 2>}, {transform_indices = @transform_4, window_bounds = array<i64: 4, 2048>}]} {
    %get3A = arith.constant 0 : index
    %get3A_0 = arith.constant 0 : index
    %get3A_1 = vector.load %arg2[%get3A, %get3A_0] : memref<128x2xf32, #tpu.memory_space<vmem>>, vector<128x2xf32>
    %slice3A = vector.extract_strided_slice %get3A_1 {offsets = [0, 0], sizes = [128, 1], strides = [1, 1]} : vector<128x2xf32> to vector<128x1xf32>
    %get3A_2 = arith.constant 0 : index
    %get3A_3 = memref.load %arg3[%get3A_2] : memref<2xf32, #tpu.memory_space<smem>>
    %mul3A = vector.broadcast %get3A_3 : f32 to vector<128x1xf32>
    %mul3A_4 = arith.mulf %slice3A, %mul3A : vector<128x1xf32>
    %slice3A_5 = vector.extract_strided_slice %get3A_1 {offsets = [0, 1], sizes = [128, 1], strides = [1, 1]} : vector<128x2xf32> to vector<128x1xf32>
    %get3A_6 = arith.constant 1 : index
    %get3A_7 = memref.load %arg3[%get3A_6] : memref<2xf32, #tpu.memory_space<smem>>
    %mul3A_8 = vector.broadcast %get3A_7 : f32 to vector<128x1xf32>
    %mul3A_9 = arith.mulf %slice3A_5, %mul3A_8 : vector<128x1xf32>
    %add3A = arith.addf %mul3A_4, %mul3A_9 : vector<128x1xf32>
    %slice3A_10 = vector.extract_strided_slice %get3A_1 {offsets = [0, 0], sizes = [128, 1], strides = [1, 1]} : vector<128x2xf32> to vector<128x1xf32>
    %get3A_11 = arith.constant 0 : index
    %get3A_12 = memref.load %arg4[%get3A_11] : memref<2xf32, #tpu.memory_space<smem>>
    %mul3A_13 = vector.broadcast %get3A_12 : f32 to vector<128x1xf32>
    %mul3A_14 = arith.mulf %slice3A_10, %mul3A_13 : vector<128x1xf32>
    %slice3A_15 = vector.extract_strided_slice %get3A_1 {offsets = [0, 1], sizes = [128, 1], strides = [1, 1]} : vector<128x2xf32> to vector<128x1xf32>
    %get3A_16 = arith.constant 1 : index
    %get3A_17 = memref.load %arg4[%get3A_16] : memref<2xf32, #tpu.memory_space<smem>>
    %mul3A_18 = vector.broadcast %get3A_17 : f32 to vector<128x1xf32>
    %mul3A_19 = arith.mulf %slice3A_15, %mul3A_18 : vector<128x1xf32>
    %add3A_20 = arith.addf %mul3A_14, %mul3A_19 : vector<128x1xf32>
    %concatenate3A = tpu.concatenate %get3A_1, %add3A, %add3A_20 in 1 : vector<128x2xf32>, vector<128x1xf32>, vector<128x1xf32> -> vector<128x4xf32>
    %get3A_21 = arith.constant 0 : index
    %get3A_22 = arith.constant 0 : index
    %get3A_23 = vector.load %arg1[%get3A_21, %get3A_22] : memref<2048x128xf32, #tpu.memory_space<vmem>>, vector<2048x128xf32>
    %dot_general3A = arith.constant dense<0.000000e+00> : vector<4x2048xf32>
    %dot_general3A_24 = tpu.matmul %concatenate3A, %get3A_23, %dot_general3A {dimension_numbers = #tpu.dot_dimension_numbers<[0], [1], [1], [0], [0, 1, 1, 0], [], []>, transpose_lhs_hint = false} : vector<128x4xf32>, vector<2048x128xf32>, vector<4x2048xf32> -> vector<4x2048xf32>
    %swap3A = arith.constant 0 : index
    %swap3A_25 = arith.constant 0 : index
    %swap3A_26 = vector.load %arg5[%swap3A, %swap3A_25] : memref<4x2048xf32, #tpu.memory_space<vmem>>, vector<4x2048xf32>
    tpu.vector_store %arg5[%swap3A, %swap3A_25], %dot_general3A_24 {strides = array<i32>} : memref<4x2048xf32, #tpu.memory_space<vmem>>, vector<4x2048xf32>,
    return
  }
  func.func @transform_0(%arg0: i32) -> (i32, i32) {
    %c0_i32 = arith.constant 0 : i32
    %c0_i32_0 = arith.constant 0 : i32
    return %arg0, %c0_i32 : i32, i32
  }
  func.func @transform_1(%arg0: i32) -> (i32, i32) {
    %c0_i32 = arith.constant 0 : i32
    %c0_i32_0 = arith.constant 0 : i32
    %c0_i32_1 = arith.constant 0 : i32
    return %c0_i32, %c0_i32_0 : i32, i32
  }
  func.func @transform_2(%arg0: i32) -> i32 {
    %c0_i32 = arith.constant 0 : i32
    %c0_i32_0 = arith.constant 0 : i32
    return %c0_i32 : i32
  }
  func.func @transform_3(%arg0: i32) -> i32 {
    %c0_i32 = arith.constant 0 : i32
    %c0_i32_0 = arith.constant 0 : i32
    return %c0_i32 : i32
  }
  func.func @transform_4(%arg0: i32) -> (i32, i32) {
    %c0_i32 = arith.constant 0 : i32
    %c0_i32_0 = arith.constant 0 : i32
    return %c0_i32, %arg0 : i32, i32
  }
}

module attributes {stable_mosaic.version = 14 : i64} {
  func.func @_final_body(%arg0: i32, %arg1: memref<2048x128xf32, #tpu.memory_space<vmem>>, %arg2: memref<2048x1xf32, #tpu.memory_space<vmem>>, %arg3: memref<2xf32, #tpu.memory_space<smem>>, %arg4: memref<32x30720xf32, #tpu.memory_space<vmem>>, %arg5: memref<2048x128xf32, #tpu.memory_space<vmem>>) attributes {dimension_semantics = [#tpu.dimension_semantics<arbitrary>], iteration_bounds = array<i64: 5>, scalar_prefetch = 0 : i64, scratch_operands = 0 : i64, tpu.core_type = #tpu.core_type<tc>, window_params = [{transform_indices = @transform_0, window_bounds = array<i64: 2048, 128>}, {transform_indices = @transform_1, window_bounds = array<i64: 2048, 1>}, {transform_indices = @transform_2, window_bounds = array<i64: 2>}, {pipeline_mode = #tpu.pipeline_mode<synchronous>, transform_indices = @transform_3, window_bounds = array<i64: 32, 30720>}, {transform_indices = @transform_4, window_bounds = array<i64: 2048, 128>}]} {
    %mul3A = arith.constant 2048 : i32
    %mul3A_0 = arith.muli %arg0, %mul3A : i32
    %get3A = arith.constant 0 : index
    %get3A_1 = arith.index_cast %mul3A_0 : i32 to index
    %get3A_2 = vector.load %arg4[%get3A, %get3A_1] : memref<32x30720xf32, #tpu.memory_space<vmem>>, vector<32x2048xf32>
    %reduce_sum3A = arith.constant dense<0.000000e+00> : vector<2048xf32>
    %reduce_sum3A_3 = vector.multi_reduction <add>, %get3A_2, %reduce_sum3A [0] : vector<32x2048xf32> to vector<2048xf32>
    %broadcast_in_dim3A = vector.shape_cast %reduce_sum3A_3 : vector<2048xf32> to vector<1x2048xf32>
    %add3A = arith.constant 9.99999971E-10 : f32
    %add3A_4 = vector.broadcast %add3A : f32 to vector<1x2048xf32>
    %add3A_5 = arith.addf %broadcast_in_dim3A, %add3A_4 : vector<1x2048xf32>
    %add3A_6 = arith.constant 10240 : i32
    %add3A_7 = arith.addi %mul3A_0, %add3A_6 : i32
    %get3A_8 = arith.constant 0 : index
    %get3A_9 = arith.index_cast %add3A_7 : i32 to index
    %get3A_10 = vector.load %arg4[%get3A_8, %get3A_9] : memref<32x30720xf32, #tpu.memory_space<vmem>>, vector<32x2048xf32>
    %reduce_sum3A_11 = arith.constant dense<0.000000e+00> : vector<2048xf32>
    %reduce_sum3A_12 = vector.multi_reduction <add>, %get3A_10, %reduce_sum3A_11 [0] : vector<32x2048xf32> to vector<2048xf32>
    %broadcast_in_dim3A_13 = vector.shape_cast %reduce_sum3A_12 : vector<2048xf32> to vector<1x2048xf32>
    %add3A_14 = arith.constant 20480 : i32
    %add3A_15 = arith.addi %mul3A_0, %add3A_14 : i32
    %get3A_16 = arith.constant 0 : index
    %get3A_17 = arith.index_cast %add3A_15 : i32 to index
    %get3A_18 = vector.load %arg4[%get3A_16, %get3A_17] : memref<32x30720xf32, #tpu.memory_space<vmem>>, vector<32x2048xf32>
    %reduce_sum3A_19 = arith.constant dense<0.000000e+00> : vector<2048xf32>
    %reduce_sum3A_20 = vector.multi_reduction <add>, %get3A_18, %reduce_sum3A_19 [0] : vector<32x2048xf32> to vector<2048xf32>
    %broadcast_in_dim3A_21 = vector.shape_cast %reduce_sum3A_20 : vector<2048xf32> to vector<1x2048xf32>
    %div3A = arith.divf %broadcast_in_dim3A_13, %add3A_5 : vector<1x2048xf32>
    %get3A_22 = arith.constant 0 : index
    %get3A_23 = memref.load %arg3[%get3A_22] : memref<2xf32, #tpu.memory_space<smem>>
    %add3A_24 = vector.broadcast %get3A_23 : f32 to vector<1x2048xf32>
    %add3A_25 = arith.addf %div3A, %add3A_24 : vector<1x2048xf32>
    %max3A = arith.constant 0.000000e+00 : f32
    %max3A_26 = vector.broadcast %max3A : f32 to vector<1x2048xf32>
    %max3A_27 = arith.maximumf %add3A_25, %max3A_26 : vector<1x2048xf32>
    %div3A_28 = arith.divf %broadcast_in_dim3A_21, %add3A_5 : vector<1x2048xf32>
    %get3A_29 = arith.constant 1 : index
    %get3A_30 = memref.load %arg3[%get3A_29] : memref<2xf32, #tpu.memory_space<smem>>
    %add3A_31 = vector.broadcast %get3A_30 : f32 to vector<1x2048xf32>
    %add3A_32 = arith.addf %div3A_28, %add3A_31 : vector<1x2048xf32>
    %max3A_33 = arith.constant 0.000000e+00 : f32
    %max3A_34 = vector.broadcast %max3A_33 : f32 to vector<1x2048xf32>
    %max3A_35 = arith.maximumf %add3A_32, %max3A_34 : vector<1x2048xf32>
    %get3A_36 = arith.constant 0 : index
    %get3A_37 = arith.constant 0 : index
    %get3A_38 = vector.load %arg2[%get3A_36, %get3A_37] : memref<2048x1xf32, #tpu.memory_space<vmem>>, vector<2048x1xf32>
    %transpose3A = tpu.transpose %max3A_27, [1, 0] : vector<1x2048xf32> -> vector<2048x1xf32>
    %mul3A_39 = arith.mulf %get3A_38, %transpose3A : vector<2048x1xf32>
    %transpose3A_40 = tpu.transpose %max3A_35, [1, 0] : vector<1x2048xf32> -> vector<2048x1xf32>
    %add3A_41 = arith.addf %mul3A_39, %transpose3A_40 : vector<2048x1xf32>
    %neg3A = arith.constant 0.000000e+00 : f32
    %neg3A_42 = vector.broadcast %neg3A : f32 to vector<2048x1xf32>
    %neg3A_43 = arith.subf %neg3A_42, %add3A_41 : vector<2048x1xf32>
    %exp3A = math.exp %neg3A_43 : vector<2048x1xf32>
    %add3A_44 = arith.constant 1.000000e+00 : f32
    %add3A_45 = vector.broadcast %add3A_44 : f32 to vector<2048x1xf32>
    %add3A_46 = arith.addf %add3A_45, %exp3A : vector<2048x1xf32>
    %div3A_47 = arith.constant 1.000000e+00 : f32
    %div3A_48 = vector.broadcast %div3A_47 : f32 to vector<2048x1xf32>
    %div3A_49 = arith.divf %div3A_48, %add3A_46 : vector<2048x1xf32>
    %get3A_50 = arith.constant 0 : index
    %get3A_51 = arith.constant 0 : index
    %get3A_52 = vector.load %arg1[%get3A_50, %get3A_51] : memref<2048x128xf32, #tpu.memory_space<vmem>>, vector<2048x128xf32>
    %mul3A_53 = vector.broadcast %div3A_49 : vector<2048x1xf32> to vector<2048x128xf32>
    %mul3A_54 = arith.mulf %get3A_52, %mul3A_53 : vector<2048x128xf32>
    %swap3A = arith.constant 0 : index
    %swap3A_55 = arith.constant 0 : index
    %swap3A_56 = vector.load %arg5[%swap3A, %swap3A_55] : memref<2048x128xf32, #tpu.memory_space<vmem>>, vector<2048x128xf32>
    tpu.vector_store %arg5[%swap3A, %swap3A_55], %mul3A_54 {strides = array<i32>} : memref<2048x128xf32, #tpu.memory_space<vmem>>, vector<2048x128xf32>,
    return
  }
  func.func @transform_0(%arg0: i32) -> (i32, i32) {
    %c0_i32 = arith.constant 0 : i32
    %c0_i32_0 = arith.constant 0 : i32
    return %arg0, %c0_i32 : i32, i32
  }
  func.func @transform_1(%arg0: i32) -> (i32, i32) {
    %c0_i32 = arith.constant 0 : i32
    %c0_i32_0 = arith.constant 0 : i32
    return %arg0, %c0_i32 : i32, i32
  }
  func.func @transform_2(%arg0: i32) -> i32 {
    %c0_i32 = arith.constant 0 : i32
    %c0_i32_0 = arith.constant 0 : i32
    return %c0_i32 : i32
  }
  func.func @transform_3(%arg0: i32) -> (i32, i32) {
    %c0_i32 = arith.constant 0 : i32
    %c0_i32_0 = arith.constant 0 : i32
    %c0_i32_1 = arith.constant 0 : i32
    return %c0_i32, %c0_i32_0 : i32, i32
  }
  func.func @transform_4(%arg0: i32) -> (i32, i32) {
    %c0_i32 = arith.constant 0 : i32
    %c0_i32_0 = arith.constant 0 : i32
    return %arg0, %c0_i32 : i32, i32
  }
}

</mosaic_0001>

<sc_bundles>
// kernel: kernel.5.cloned.1.call-start
scs
__scs_entry_jumppad:
0x0: {  	(pc) =	sbr.rel $0x88, $3  }
0x1: {  	(tag) =	ssettag $0x0;
	lr =	simm.s32 $0x1  }
0x2: {  	[smem:$0x3F9A] =	sst lr;
	_ =	strace $0xD0000000  }
0x3: {  	_ = 	snop  }
0x4: {  	_ = 	snop  }
0x5: {  	_ = 	snop  }
0x6: {  	_ = 	snop  }
0x7: {  	_ = 	snop  }
__scs_overlays_trampoline_lowered:
0x8: {  	[smem:$0x3FA9] =	sst s0  }
0x9: {  	[smem:$0x3FAA] =	sst s1  }
0xa: {  	[smem:$0x3FAB] =	sst s2  }
0xb: {  	[smem:$0x3FAC] =	sst s3  }
0xc: {  	[smem:$0x3FAD] =	sst s4  }
0xd: {  	[smem:$0x3FAE] =	sst s5  }
0xe: {  	[smem:$0x3FAF] =	sst s6  }
0xf: {  	[smem:$0x3FB0] =	sst s7  }
0x10: {  	[smem:$0x3FB1] =	sst s8  }
0x11: {  	[smem:$0x3FB2] =	sst s9;
	s0 =	simm.s32 @!p0 $0x0  }
0x12: {  	s1 =	sld [smem:$0x3F98];
	s0 =	simm.s32 @p0 $0x1  }
0x13: {  	[smem:$0x3FB3] =	sst s0;
	s0 =	simm.s32 @!p1 $0x0  }
0x14: {  	s2 =	sld [smem:$0x3F97];
	s0 =	simm.s32 @p1 $0x1  }
0x15: {  	[smem:$0x3FB4] =	sst s0;
	s0 =	simm.s32 @!p2 $0x0  }
0x16: {  	s3 =	sld [smem:$0x3FDB];
	s0 =	simm.s32 @p2 $0x1  }
0x17: {  	s4 =	simm.s32 $0x1BF5;
	[smem:$0x3FB6] =	sst s0  }
0x18: {  	s0 =	sld [smem:$0x3F99];
	_ =	swait.ge [sflag:s4], $0x0  }
0x19: {  	s7 =	sld [smem:$0x3F9A]  }
0x1a: {  	s8 =	sadd.s32 $0xFFFFE003, lr  }
0x1b: {  	s9 =	sadd.s32 $0xFFFFFEF7, lr;
	s5 =	simm.s32 $0xFFFFFFFF;
	p2 =	slt.u32 s8, $0xFFFFF086  }
0x1c: {  	p1 =	slt.u32 s9, $0xF7A;
	s5 =	simm.s32 @!p2 $0x0  }
0x1d: {  	s5 =	simm.s32 @p1 $0x1;
	p0 =	seq.s32 s7, s2  }
0x1e: {  	s7 =	smul.u32 @!p0 $0xF7A, s2;
	p2 =	seq.s32 @!p0 s5, $0x0  }
0x1f: {  	s9 =	smul.u32 $0xF7A, s1;
	s8 =	simm.s32 @!p0 $0x1BF5;
	p2 =	por !p2, p0  }
0x20: {  	[sflag:s8] =	ssyncset.s32 @!p0 $0xFFFFF086;
	s6 =	sadd.s32 @!p0 s3, s7;
	s7 =	simm.s32 @!p0 $0x108  }
0x21: {  	s3 =	sadd.s32 s3, s9;
	s6 =	sadd.s32 @!p0 $0x88, s6;
	s7 =	simm.s32 @p2 $0x1082  }
0x22: {  	[simem:s7], [sflag:s8] =	dma.local @!p0 [hbm:s6], $0xF7A  }
0x23: {  	s9 =	sor.u32 $0xD0000000, s2;
	s6 =	simm.s32 $0x108;
	_ =	swait.ge @!p0 [sflag:s8], $0x0  }
0x24: {  	s3 =	sadd.s32 $0x88, s3;
	s6 =	simm.s32 @!p1 $0x1082;
	[sflag:s4] =	ssyncset.s32 $0xFFFFF086  }
0x25: {  	[simem:s6], [sflag:s4] =	dma.local [hbm:s3], $0xF7A  }
0x26: {  	[smem:$0x3F9A] =	sst s1;
	(tag) =	ssettag s2;
	_ =	strace s9  }
0x27: {  	s1 =	sld [smem:$0x3FAA]  }
0x28: {  	s2 =	sld [smem:$0x3FAB]  }
0x29: {  	s4 =	sld [smem:$0x3FAD]  }
0x2a: {  	p0 =	seq.s32 s5, $0x0;
	s5 =	sld [smem:$0x3FAE]  }
0x2b: {  	s6 =	sld [smem:$0x3FAF]  }
0x2c: {  	s7 =	sld [smem:$0x3FB0]  }
0x2d: {  	s3 =	simm.s32 $0x108;
	s8 =	sld [smem:$0x3FB1]  }
0x2e: {  	s3 =	simm.s32 @!p0 $0x1082;
	s9 =	sld [smem:$0x3FB2]  }
0x2f: {  	lr =	sadd.s32 s0, s3;
	s0 =	sld [smem:$0x3FA9]  }
0x30: {  	s3 =	sld [smem:$0x3FAC]  }
0x31: {  	[smem:$0x3FB5] =	sst s10  }
0x32: {  	s10 =	sld [smem:$0x3FB3];
	_ =	sdelay $0x3  }
0x33: {  	p0 =	seq.s32 s10, $0x1;
	s10 =	sld [smem:$0x3FB5];
	_ =	sdelay $0x3  }
0x34: {  	[smem:$0x3FB5] =	sst s10  }
0x35: {  	s10 =	sld [smem:$0x3FB4];
	_ =	sdelay $0x3  }
0x36: {  	p1 =	seq.s32 s10, $0x1;
	s10 =	sld [smem:$0x3FB5];
	_ =	sdelay $0x3  }
0x37: {  	[smem:$0x3FB5] =	sst s10  }
0x38: {  	s10 =	sld [smem:$0x3FB6]  }
0x39: {  	_ = 	snop;
	(pc) =	sbr.ind lr, $3  }
0x3a: {  	_ = 	snop  }
0x3b: {  	_ = 	snop  }
0x3c: {  	p2 =	seq.s32 s10, $0x1;
	s10 =	sld [smem:$0x3FB5]  }
0x3d: {  	_ =	shalt  }
0x3e: {  	_ =	shalt  }
0x3f: {  	_ =	shalt  }
0x40: {  	_ =	shalt  }
0x41: {  	_ =	shalt  }
0x42: {  	_ =	shalt  }
0x43: {  	_ =	shalt  }
0x44: {  	_ =	shalt  }
0x45: {  	_ =	shalt  }
0x46: {  	_ =	shalt  }
0x47: {  	_ =	shalt  }
0x48: {  	_ =	shalt  }
0x49: {  	_ =	shalt  }
0x4a: {  	_ =	shalt  }
0x4b: {  	_ =	shalt  }
0x4c: {  	_ =	shalt  }
0x4d: {  	_ =	shalt  }
0x4e: {  	_ =	shalt  }
0x4f: {  	_ =	shalt  }
0x50: {  	_ =	shalt  }
0x51: {  	_ =	shalt  }
0x52: {  	_ =	shalt  }
0x53: {  	_ =	shalt  }
0x54: {  	_ =	shalt  }
0x55: {  	_ =	shalt  }
0x56: {  	_ =	shalt  }
0x57: {  	_ =	shalt  }
0x58: {  	_ =	shalt  }
0x59: {  	_ =	shalt  }
0x5a: {  	_ =	shalt  }
0x5b: {  	_ =	shalt  }
0x5c: {  	_ =	shalt  }
0x5d: {  	_ =	shalt  }
0x5e: {  	_ =	shalt  }
0x5f: {  	_ =	shalt  }
0x60: {  	_ =	shalt  }
0x61: {  	_ =	shalt  }
0x62: {  	_ =	shalt  }
0x63: {  	_ =	shalt  }
0x64: {  	_ =	shalt  }
0x65: {  	_ =	shalt  }
0x66: {  	_ =	shalt  }
0x67: {  	_ =	shalt  }
0x68: {  	_ =	shalt  }
0x69: {  	_ =	shalt  }
0x6a: {  	_ =	shalt  }
0x6b: {  	_ =	shalt  }
0x6c: {  	_ =	shalt  }
0x6d: {  	_ =	shalt  }
0x6e: {  	_ =	shalt  }
0x6f: {  	_ =	shalt  }
0x70: {  	_ =	shalt  }
0x71: {  	_ =	shalt  }
0x72: {  	_ =	shalt  }
0x73: {  	_ =	shalt  }
0x74: {  	_ =	shalt  }
0x75: {  	_ =	shalt  }
0x76: {  	_ =	shalt  }
0x77: {  	_ =	shalt  }
0x78: {  	_ =	shalt  }
0x79: {  	_ =	shalt  }
0x7a: {  	_ =	shalt  }
0x7b: {  	_ =	shalt  }
0x7c: {  	_ =	shalt  }
0x7d: {  	_ =	shalt  }
0x7e: {  	_ =	shalt  }
0x7f: {  	_ =	shalt  }
0x80: {  	_ =	shalt  }
0x81: {  	_ =	shalt  }
0x82: {  	_ =	shalt  }
0x83: {  	_ =	shalt  }
0x84: {  	_ =	shalt  }
0x85: {  	_ =	shalt  }
0x86: {  	_ =	shalt  }
0x87: {  	_ =	shalt  }
.Lfunc_end0:
.L_simem_size_0:
called_computation_lowered:
.L_overlay_start_0:
0x88: {  	s2 =	sld [smem:$0x3FD9]  }
0x89: {  	s3 =	sld [smem:$0x3FFE];
	_ =	sdelay $0x1  }
0x8a: {  	s1 =	srdreg.scid  }
0x8b: {  	s0 =	sand.u32 $0x1, s1  }
0x8c: {  	s17 =	sshll.u32 s0, $0xA;
	s2 =	sadd.s32 s3, s2  }
0x8d: {  	s2 =	sadd.s32 s2, s17  }
0x8e: {  	[smem:$0x3FC1] =	sst s2  }
0x8f: {  	_ = 	snop  }
0x90: {  	s2 =	sld [smem:$0x3FD0];
	(tm) =	ssettm $0x1  }
0x91: {  	s18 =	sld [smem:$0x3FFB];
	_ =	sdelay $0x3  }
0x92: {  	_ =	strace s18  }
0x93: {  	s3 =	sld [smem:$0x3FFC];
	_ =	sdelay $0x3  }
0x94: {  	_ =	strace s3  }
0x95: {  	s3 =	sld [smem:$0x3FFD];
	_ =	sdelay $0x3  }
0x96: {  	_ =	strace s3  }
0x97: {  	_ =	strace $0x8FFFFFFF  }
0x98: {  	s19 =	sld [smem:$0x3FDB];
	_ =	sdelay $0x1  }
0x99: {  	s4 =	simm.s32 $_scs_section_size  }
0x9a: {  	s5 =	simm.s32 $_size__tile_overlayer_lowered;
	s6 =	simm.s32 $_tile_overlayer_lowered  }
0x9b: {  	s22 =	simm.s32 $0x1BFF;
	s21 =	sshll.u32 s6, $0x1;
	s3 =	sadd.s32 s4, s19  }
0x9c: {  	s7 =	simm.s32 $0x0;
	s20 =	sshll.u32 s5, $0x1;
	s5 =	sadd.s32 s21, s3  }
0x9d: {  	[timem:s7], [sflag:s22] =	dma.local [hbm:s5], s20  }
0x9e: {  	_ =	swait.ge [sflag:s22], s20  }
0x9f: {  	s4 =	ssub.s32 $0x0, s20;
	[sflag:s22] =	ssyncset.done $0x0  }
0xa0: {  	[sflag:s22] =	ssyncadd.s32 s4;
	_ =	sdelay $0x1  }
0xa1: {  	s23 =	simm.s32 $0x1B8B  }
0xa2: {  	_ =	swait.ge [sflag:s23], $0x1  }
0xa3: {  	[sflag:s23] =	ssyncset.done $0x0  }
0xa4: {  	s25 =	simm.s32 $0x1B8E;
	s24 =	sld [smem:$0x3FFE];
	[sflag:s23] =	ssyncadd.s32 $0xFFFFFFFF  }
0xa5: {  	s26 =	simm.s32 $execute0_lowered;
	[smem:$0x3FD2] =	sst s25  }
0xa6: {  	s5 =	sshll.u32 s26, $0x1;
	_ =	strace $0x80000046;
	[dreg:$0x1] =	wrdreg $0xFFFFFFFF  }
0xa7: {  	s28 =	simm.s32 $_size_execute0_lowered;
	s3 =	sadd.s32 s3, s5;
	[dreg:$0x0] =	wrdreg $0x0  }
0xa8: {  	s5 =	sshll.u32 s28, $0x1;
	[dreg:$0x2] =	wrdreg s3  }
0xa9: {  	[dreg:$0x3] =	wrdreg s5  }
0xaa: {  	[dreg:$0x4] =	wrdreg $0xC0  }
0xab: {  	_ =	task [dreg:s7], $0x5FFFF  }
0xac: {  	[dreg:$0x1] =	wrdreg $0xFFFFFFFF  }
0xad: {  	[dreg:$0x0] =	wrdreg $0x60  }
0xae: {  	[dreg:$0x2] =	wrdreg s24  }
0xaf: {  	[dreg:$0x3] =	wrdreg s2  }
0xb0: {  	[dreg:$0x4] =	wrdreg $0x9  }
0xb1: {  	_ =	task.clear_ibuf [dreg:s7], $0x5FFFF;
	_ =	strace $0x90000046  }
0xb2: {  	s29 =	simm.s32 $0x9;
	_ =	strace $0x80000048  }
0xb3: {  	_ =	swait.ge [sflag:s29], $0x1  }
0xb4: {  	[sflag:s29] =	ssyncadd.s32 $0xFFFFFFFF  }
0xb5: {  	_ =	strace $0x90000048  }
0xb6: {  	_ =	sfence  }
0xb7: {  	s30 =	sld [smem:$0x0];
	_ =	sdelay $0x2  }
0xb8: {  	s31 =	sshll.u32 s1, $0xD;
	s1 =	sshrl.u32 s1, $0x2  }
0xb9: {  	s3 =	sand.u32 $0x4000, s31;
	s1 =	sadd.s32 s1, s30  }
0xba: {  	s0 =	sor.u32 s3, s0;
	s1 =	sshll.u32 s1, $0x11  }
0xbb: {  	s0 =	sor.u32 s1, s0  }
0xbc: {  	s0 =	sadd.s32 $0x8F2B, s0  }
0xbd: {  	[sflag:s0] =	ssyncadd.remote.s32 $0x1  }
0xbe: {  	_ =	sfence.sel $0xFFFF  }
0xbf: {  	[dreg:$0x0] =	wrdreg $0xFFFFFFFF;
	(pc) =	sbr.abs _section_cstart, $3  }
0xc0: {  	[dreg:$0x1] =	wrdreg $0xFFFFFFFF  }
0xc1: {  	_ =	task.clear_ibuf [dreg:s7], $0x2FFFF;
	_ =	strace $0x9FFFFFFF  }
0xc2: {  	(tm) =	ssettm $0x7FFFFFFF  }
0xc3: {  	_ =	shalt  }
tec
execute0_lowered:
.L_overlay_start_1:
0x0: {  	(tag) =	ssettag $0x1  }
0x1: {  	s4 =	rddreg [dreg:$0x0]  }
0x2: {  	s1 =	srdreg.scid;
	s0 =	stileid.u32  }
0x3: {  	s6 =	rddreg [dreg:$0x1];
	s2 =	simm.s32 $0x0;
	s11 =	simm.s32 $0x9C80  }
0x4: {  	s12 =	simm.s32 $0x80;
	s13 =	simm.s32 $0x400;
	s14 =	simm.s32 $0x2  }
0x5: {  	s15 =	simm.s32 $0x0;
	s5 =	sand.u32 $0x1, s1;
	s1 =	rddreg [dreg:$0x2]  }
0x6: {  	s3 =	sshll.u32 s0, $0x1;
	[smem:$0x7FF] =	sst s2;
	s8 =	sshrl.u32 s0, $0x2  }
0x7: {  	s3 =	sor.u32 s5, s3;
	_ =	strace $0x80000047;
	s8 =	smul.u32 $0x3C000, s8  }
0x8: {  	s5 =	ssub.s32 $0x2, s5;
	s7 =	smul.u32 $0x2710, s3;
	s9 =	sshll.u32 s3, $0x7  }
0x9: {  	s3 =	sadd.s32 $0x1A00, s4;
	s10 =	sshrl.u32 s5, $0x1;
	s9 =	sand.u32 $0x380, s9  }
0xa: {  	s31 =	ssub.s32 s5, s10;
	s10 =	simm.s32 $0x1;
	s7 =	sshrl.u32 s7, $0x3  }
0xb: {  	s8 =	sor.u32 s8, s9;
	s9 =	simm.s32 $0x13C00;
	s7 =	sadd.s32 s7, s4  }
0xc: {  	s8 =	sshrl.u32 s8, $0x3;
	s4 =	sadd.s32 $0x2E00, s7;
	s5 =	sadd.s32 $0xCA40, s7  }
0xd: {  	v0 =	vimm.f32 $0.0e+00;
	s6 =	sadd.s32 s6, s8;
	s7 =	smax.u32 s31, $0x1;
	s8 =	simm.s32 $0x11480  }
.LBB2_1:
0xe: {  	[tilespmem:s8], [sflag:$0x1] =	stream.linear.gather [hbm4b:s4+s2], $0x2710, $0x38;
	[tilespmem:$0x16380] =	vst v63  }
0xf: {  	_ = 	snop  }
0x10: {  	[tilespmem:s9], [sflag:$0x1] =	stream.linear.gather [hbm4b:s5+s2], $0x2710, $0x38;
	[tilespmem:$0x16380] =	vst v63  }
0x11: {  	s16 =	simm.s32 $0x9CC0  }
0x12: {  	[tilespmem:s2], [sflag:$0x1] =	stream.linear.gather [hbm4b:s3+s2], $0x9C80, $0x38;
	[tilespmem:$0x16380] =	vst v63  }
0x13: {  	[tilespmem:s16+$0xFFFFFFC0] =	vst v0  }
0x14: {  	[tilespmem:s16+$0x30] =	vst v0  }
0x15: {  	[tilespmem:s16+$0x20] =	vst v0  }
0x16: {  	[tilespmem:s16+$0x10] =	vst v0  }
0x17: {  	[tilespmem:s16+$0x0] =	vst v0  }
0x18: {  	[tilespmem:s16+$0xFFFFFFF0] =	vst v0  }
0x19: {  	s17 =	simm.s32 $0x0;
	[tilespmem:s16+$0xFFFFFFE0] =	vst v0  }
.LBB2_2:
0x1a: {  	s17 =	sadd.s32 $0x80, s17;
	[tilespmem:s16+$0xFFFFFFD0] =	vst v0;
	s16 =	sadd.s32 $0x80, s16  }
0x1b: {  	[tilespmem:s16+$0xFFFFFFC0] =	vst v0;
	p0 =	slt.u32 s17, $0x7780  }
0x1c: {  	[tilespmem:s16+$0x30] =	vst v0  }
.Ltmp0:
0x1d: {  	[tilespmem:s16+$0x20] =	vst v0;
	(pc) =	sbr.rel @p0 .LBB2_2-.Ltmp0, $4  }
0x1e: {  	[tilespmem:s16+$0x10] =	vst v0  }
0x1f: {  	[tilespmem:s16+$0x0] =	vst v0  }
0x20: {  	[tilespmem:s16+$0xFFFFFFF0] =	vst v0  }
0x21: {  	[tilespmem:s16+$0xFFFFFFE0] =	vst v0  }
0x22: {  	[tilespmem:s16+$0xFFFFFFD0] =	vst v0  }
0x23: {  	_ =	swait.ge [sflag:s10], $0x2710  }
0x24: {  	[sflag:s10] =	ssyncset.done $0x0  }
0x25: {  	[sflag:s10] =	ssyncadd.s32 $0xFFFFD8F0  }
0x26: {  	_ =	swait.ge [sflag:s10], $0x2710  }
0x27: {  	[sflag:s10] =	ssyncset.done $0x0  }
0x28: {  	[sflag:s10] =	ssyncadd.s32 $0xFFFFD8F0  }
0x29: {  	_ =	swait.ge [sflag:s10], $0x9C80  }
0x2a: {  	[sflag:s10] =	ssyncset.done $0x0  }
0x2b: {  	s16 =	simm.s32 $0x13C40;
	[sflag:s10] =	ssyncadd.s32 $0xFFFF6380  }
0x2c: {  	v2 =	vld [tilespmem:s16+$0xFFFFFFE0]  }
0x2d: {  	s17 =	simm.s32 $0x114C0;
	v10 =	vld [tilespmem:s16+$0x10]  }
0x2e: {  	v11 =	vld [tilespmem:s17+$0xFFFFFFF0]  }
0x2f: {  	v9 =	vld [tilespmem:s16+$0xFFFFFFF0]  }
0x30: {  	v7 =	vld [tilespmem:s17+$0x0]  }
0x31: {  	v1 =	vld [tilespmem:s16+$0x0]  }
0x32: {  	v5 =	vld [tilespmem:s17+$0xFFFFFFC0]  }
0x33: {  	v12 =	vld [tilespmem:s16+$0x30]  }
0x34: {  	v13 =	vld [tilespmem:s17+$0x30]  }
0x35: {  	v4 =	vld [tilespmem:s16+$0xFFFFFFD0]  }
0x36: {  	v20 =	vld [tilespmem:s17+$0x10]  }
0x37: {  	v16 =	vld [tilespmem:s17+$0x20]  }
0x38: {  	v14 =	vld [tilespmem:s17+$0xFFFFFFE0]  }
0x39: {  	v15 =	vld [tilespmem:s16+$0x20]  }
0x3a: {  	v3 =	vld [tilespmem:s16+$0xFFFFFFC0]  }
0x3b: {  	v27 =	vld [tilespmem:s17+$0xFFFFFFD0]  }
0x3c: {  	v6 =	vadd.s32 $0x2710, v5;
	v8 =	vld.idx.msk [tilespmem:v5+s2+$0x0], $0xffff  }
0x3d: {  	v18 =	vadd.s32 $0x7530, v12;
	v22 =	vld.idx.msk [tilespmem:v13+s2+$0x0], $0xffff  }
0x3e: {  	v19 =	vadd.s32 $0x4E20, v13;
	v24 =	vadd.s32 $0x4E20, v20;
	v46 =	vadd.s32 $0x2710, v20;
	v20 =	vld.idx.msk [tilespmem:v20+s2+$0x0], $0xffff  }
0x3f: {  	v21 =	vadd.s32 $0x4E20, v16;
	v45 =	vadd.s32 $0x2710, v16;
	v16 =	vld.idx.msk [tilespmem:v16+s2+$0x0], $0xffff  }
0x40: {  	v17 =	vadd.s32 $0x4E20, v5;
	v29 =	vadd.s32 $0x4E20, v11;
	v61 =	vadd.s32 $0x2710, v11;
	v11 =	vld.idx.msk [tilespmem:v11+s2+$0x0], $0xffff  }
0x41: {  	v5 =	vld.idx.msk [tilespmem:v6+s2+$0x0], $0xffff  }
0x42: {  	v23 =	vadd.s32 $0x7530, v10;
	v18 =	vld.idx.msk [tilespmem:v18+s2+$0x0], $0xffff  }
0x43: {  	v6 =	vadd.s32 $0x7530, v15;
	v19 =	vld.idx.msk [tilespmem:v19+s2+$0x0], $0xffff  }
0x44: {  	v31 =	vadd.s32 $0x4E20, v14;
	v36 =	vadd.s32 $0x2710, v14;
	v14 =	vld.idx.msk [tilespmem:v14+s2+$0x0], $0xffff  }
0x45: {  	v28 =	vadd.s32 $0x7530, v9;
	v17 =	vld.idx.msk [tilespmem:v17+s2+$0x0], $0xffff  }
0x46: {  	v21 =	vld.idx.msk [tilespmem:v21+s2+$0x0], $0xffff  }
0x47: {  	v30 =	vadd.s32 $0x7530, v2;
	v23 =	vld.idx.msk [tilespmem:v23+s2+$0x0], $0xffff  }
0x48: {  	v34 =	vadd.s32 $0x7530, v3;
	v25 =	vld.idx.msk [tilespmem:v6+s2+$0x0], $0xffff;
	v18 =	vadd.f32 v18, v19  }
0x49: {  	v32 =	vadd.s32 $0x4E20, v27;
	v24 =	vld.idx.msk [tilespmem:v24+s2+$0x0], $0xffff  }
0x4a: {  	v28 =	vld.idx.msk [tilespmem:v28+s2+$0x0], $0xffff;
	v19 =	vadd.s32 $0x7530, v4;
	v33 =	vmul.f32 $2.000000030e-01, v18  }
0x4b: {  	v29 =	vld.idx.msk [tilespmem:v29+s2+$0x0], $0xffff;
	vm0 =	vge.f32 v18, $0.0e+00  }
0x4c: {  	v26 =	vadd.s32 $0x4E20, v7;
	v60 =	vld.idx.msk [tilespmem:v30+s2+$0x0], $0xffff;
	v18 =	vsel vm0, v18, v33  }
0x4d: {  	v35 =	vadd.s32 $0x7530, v1;
	v40 =	vld.idx.msk [tilespmem:v34+s2+$0x0], $0xffff;
	v21 =	vadd.f32 v25, v21;
	v18 =	vmul.f32 $1.442695020e+00, v18  }
0x4e: {  	v41 =	vadd.s32 $0x5000, v12;
	v47 =	vadd.s32 $0x2710, v27;
	v63 =	vld.idx.msk [tilespmem:v32+s2+$0x0], $0xffff;
	v23 =	vadd.f32 v23, v24  }
0x4f: {  	v52 =	vadd.s32 $0x2800, v12;
	v19 =	vld.idx.msk [tilespmem:v19+s2+$0x0], $0xffff;
	v62 =	vmul.f32 $2.000000030e-01, v21;
	(erf) = vpow2.f32 v18  }
0x50: {  	v13 =	vadd.s32 $0x2710, v13;
	v31 =	vld.idx.msk [tilespmem:v31+s2+$0x0], $0xffff;
	v43 =	vmul.f32 $2.000000030e-01, v23;
	vm10 =	vge.f32 v21, $0.0e+00  }
0x51: {  	v56 =	vld.idx.msk [tilespmem:v27+s2+$0x0], $0xffff;
	v28 =	vadd.f32 v28, v29;
	vm11 =	vge.f32 v23, $0.0e+00;
	v21 =	vsel vm10, v21, v62  }
0x52: {  	v26 =	vld.idx.msk [tilespmem:v26+s2+$0x0], $0xffff;
	v17 =	vadd.f32 v40, v17;
	v23 =	vsel vm11, v23, v43;
	v18 =	vmul.f32 $1.442695020e+00, v21  }
0x53: {  	v42 =	vld.idx.msk [tilespmem:v35+s2+$0x0], $0xffff;
	v48 =	vmul.f32 $2.000000030e-01, v28;
	vm12 =	vge.f32 v28, $0.0e+00;
	v23 =	vmul.f32 $1.442695020e+00, v23  }
0x54: {  	v44 =	vld.idx.msk [tilespmem:v61+s2+$0x0], $0xffff;
	v32 =	vmul.f32 $2.000000030e-01, v17;
	(erf) = vpow2.f32 v18;
	v18 =	vadd.f32 v19, v63  }
0x55: {  	v36 =	vld.idx.msk [tilespmem:v36+s2+$0x0], $0xffff;
	v25 =	vadd.f32 v60, v31;
	v19 =	vsel vm12, v28, v48;
	(erf) = vpow2.f32 v23  }
0x56: {  	v6 =	vld.idx.msk [tilespmem:v7+s2+$0x0], $0xffff;
	v7 =	vadd.s32 $0x2710, v7;
	v19 =	vmul.f32 $1.442695020e+00, v19;
	v50 =	vmul.f32 $2.000000030e-01, v18  }
0x57: {  	v13 =	vld.idx.msk [tilespmem:v13+s2+$0x0], $0xffff;
	vm14 =	vge.f32 v17, $0.0e+00;
	v49 =	vmul.f32 $2.000000030e-01, v25;
	vm13 =	vge.f32 v18, $0.0e+00  }
0x58: {  	v51 =	vld.idx.msk [tilespmem:v45+s2+$0x0], $0xffff;
	vm1 =	vge.f32 v25, $0.0e+00;
	v54 =	vpop (erf);
	v18 =	vsel vm13, v18, v50;
	(erf) = vpow2.f32 v19  }
0x59: {  	v24 =	vsel vm1, v25, v49;
	[tilespmem:v12+s11+$0x0] =	vst.idx.add.f32.msk $0xffff, v54;
	v12 =	vmul.f32 $1.442695020e+00, v18;
	v18 =	vmul.f32 v54, v22  }
0x5a: {  	v53 =	vld.idx.msk [tilespmem:v47+s2+$0x0], $0xffff;
	v17 =	vsel vm14, v17, v32;
	v55 =	vmul.f32 $1.442695020e+00, v24  }
0x5b: {  	v7 =	vld.idx.msk [tilespmem:v7+s2+$0x0], $0xffff;
	(erf) = vpow2.f32 v12;
	v12 =	vmul.f32 $1.442695020e+00, v17  }
0x5c: {  	v19 =	vld.idx.msk [tilespmem:v46+s2+$0x0], $0xffff;
	v13 =	vmul.f32 v54, v13;
	v17 =	vadd.s32 $0x2800, v10;
	(erf) = vpow2.f32 v55  }
0x5d: {  	[tilespmem:v52+s11+$0x0] =	vst.idx.add.f32.msk $0xffff, v18;
	v18 =	vpop (erf);
	(erf) = vpow2.f32 v12  }
0x5e: {  	[tilespmem:v41+s11+$0x0] =	vst.idx.add.f32.msk $0xffff, v13;
	v13 =	vadd.s32 $0x5000, v10;
	v12 =	vadd.f32 v42, v26;
	v57 =	vpop (erf)  }
0x5f: {  	[tilespmem:v10+s11+$0x0] =	vst.idx.add.f32.msk $0xffff, v57;
	v10 =	vmul.f32 v57, v20;
	v20 =	vadd.s32 $0x2800, v15  }
0x60: {  	v60 =	vadd.s32 $0x2800, v9;
	[tilespmem:v15+s11+$0x0] =	vst.idx.add.f32.msk $0xffff, v18;
	v58 =	vmul.f32 $2.000000030e-01, v12  }
0x61: {  	v59 =	vadd.s32 $0x5000, v15;
	vm15 =	vge.f32 v12, $0.0e+00;
	v15 =	vmul.f32 v57, v19;
	v19 =	vpop (erf);
	[tilespmem:v17+s11+$0x0] =	vst.idx.add.f32.msk $0xffff, v10  }
0x62: {  	v61 =	vadd.s32 $0x5000, v9;
	v10 =	vsel vm15, v12, v58;
	[tilespmem:v9+s11+$0x0] =	vst.idx.add.f32.msk $0xffff, v19;
	v9 =	vmul.f32 v18, v16  }
0x63: {  	v62 =	vmul.f32 $1.442695020e+00, v10;
	[tilespmem:v13+s11+$0x0] =	vst.idx.add.f32.msk $0xffff, v15;
	v63 =	vmul.f32 v19, v11  }
0x64: {  	v10 =	vmul.f32 v18, v51;
	v19 =	vmul.f32 v19, v44;
	v13 =	vpop (erf);
	[tilespmem:v20+s11+$0x0] =	vst.idx.add.f32.msk $0xffff, v9  }
0x65: {  	v15 =	vadd.s32 $0x2800, v4;
	[tilespmem:v60+s11+$0x0] =	vst.idx.add.f32.msk $0xffff, v63;
	(erf) = vpow2.f32 v62;
	v11 =	vmul.f32 v13, v56;
	v18 =	vpop (erf)  }
0x66: {  	v17 =	vadd.s32 $0x2800, v2;
	v12 =	vmul.f32 v13, v53;
	[tilespmem:v59+s11+$0x0] =	vst.idx.add.f32.msk $0xffff, v10;
	v16 =	vmul.f32 v18, v14;
	v14 =	vpop (erf)  }
0x67: {  	s18 =	simm.s32 $0x0;
	v9 =	vadd.s32 $0x5000, v4;
	[tilespmem:v61+s11+$0x0] =	vst.idx.add.f32.msk $0xffff, v19;
	v10 =	vmul.f32 v18, v36;
	v8 =	vmul.f32 v14, v8  }
.LBB2_4:
0x68: {  	s18 =	sadd.s32 $0x80, s18;
	[tilespmem:v2+s11+$0x0] =	vst.idx.add.f32.msk $0xffff, v18;
	s17 =	sadd.s32 $0x80, s17;
	s16 =	sadd.s32 $0x80, s16  }
0x69: {  	v2 =	vadd.s32 $0x5000, v2;
	p0 =	slt.u32 s18, $0x2680;
	[tilespmem:v4+s11+$0x0] =	vst.idx.add.f32.msk $0xffff, v13  }
0x6a: {  	v4 =	vadd.s32 $0x2800, v3;
	[tilespmem:v15+s11+$0x0] =	vst.idx.add.f32.msk $0xffff, v11  }
0x6b: {  	v11 =	vadd.s32 $0x5000, v3;
	[tilespmem:v17+s11+$0x0] =	vst.idx.add.f32.msk $0xffff, v16  }
0x6c: {  	[tilespmem:v9+s11+$0x0] =	vst.idx.add.f32.msk $0xffff, v12  }
0x6d: {  	[tilespmem:v3+s11+$0x0] =	vst.idx.add.f32.msk $0xffff, v14;
	v3 =	vadd.s32 $0x2800, v1  }
0x6e: {  	v5 =	vmul.f32 v14, v5;
	[tilespmem:v2+s11+$0x0] =	vst.idx.add.f32.msk $0xffff, v10;
	v2 =	vadd.s32 $0x5000, v1  }
0x6f: {  	[tilespmem:v4+s11+$0x0] =	vst.idx.add.f32.msk $0xffff, v8;
	v4 =	vpop (erf)  }
0x70: {  	[tilespmem:v11+s11+$0x0] =	vst.idx.add.f32.msk $0xffff, v5;
	v5 =	vmul.f32 v4, v6;
	v6 =	vmul.f32 v4, v7  }
0x71: {  	[tilespmem:v1+s11+$0x0] =	vst.idx.add.f32.msk $0xffff, v4  }
0x72: {  	[tilespmem:v3+s11+$0x0] =	vst.idx.add.f32.msk $0xffff, v5  }
0x73: {  	[tilespmem:v2+s11+$0x0] =	vst.idx.add.f32.msk $0xffff, v6  }
0x74: {  	v2 =	vld [tilespmem:s16+$0xFFFFFFE0]  }
0x75: {  	v10 =	vld [tilespmem:s16+$0x10]  }
0x76: {  	v12 =	vld [tilespmem:s17+$0xFFFFFFF0]  }
0x77: {  	v8 =	vld [tilespmem:s16+$0xFFFFFFF0]  }
0x78: {  	v7 =	vld [tilespmem:s17+$0x0]  }
0x79: {  	v1 =	vld [tilespmem:s16+$0x0]  }
0x7a: {  	v5 =	vld [tilespmem:s17+$0xFFFFFFC0]  }
0x7b: {  	v14 =	vld [tilespmem:s16+$0x30]  }
0x7c: {  	v15 =	vld [tilespmem:s17+$0x30]  }
0x7d: {  	v4 =	vld [tilespmem:s16+$0xFFFFFFD0]  }
0x7e: {  	v13 =	vld [tilespmem:s17+$0xFFFFFFE0]  }
0x7f: {  	v6 =	vadd.s32 $0x2710, v5;
	v16 =	vadd.s32 $0x4E20, v5;
	v11 =	vld [tilespmem:s16+$0x20]  }
0x80: {  	v17 =	vld [tilespmem:s17+$0x20];
	v18 =	vadd.s32 $0x7530, v14  }
0x81: {  	v3 =	vld [tilespmem:s16+$0xFFFFFFC0];
	v19 =	vadd.s32 $0x4E20, v15  }
0x82: {  	v9 =	vld.idx.msk [tilespmem:v5+s2+$0x0], $0xffff  }
0x83: {  	v20 =	vld [tilespmem:s17+$0x10]  }
0x84: {  	v5 =	vld.idx.msk [tilespmem:v6+s2+$0x0], $0xffff;
	v6 =	vadd.s32 $0x7530, v11  }
0x85: {  	v21 =	vadd.s32 $0x4E20, v17;
	v22 =	vld.idx.msk [tilespmem:v15+s2+$0x0], $0xffff  }
0x86: {  	v16 =	vld.idx.msk [tilespmem:v16+s2+$0x0], $0xffff  }
0x87: {  	v23 =	vadd.s32 $0x7530, v10;
	v18 =	vld.idx.msk [tilespmem:v18+s2+$0x0], $0xffff  }
0x88: {  	v19 =	vld.idx.msk [tilespmem:v19+s2+$0x0], $0xffff  }
0x89: {  	v24 =	vadd.s32 $0x7530, v1;
	v25 =	vadd.s32 $0x4E20, v20;
	v26 =	vld.idx.msk [tilespmem:v6+s2+$0x0], $0xffff  }
0x8a: {  	v27 =	vadd.s32 $0x4E20, v7;
	v21 =	vld.idx.msk [tilespmem:v21+s2+$0x0], $0xffff  }
0x8b: {  	v29 =	vadd.s32 $0x7530, v8;
	v28 =	vld [tilespmem:s17+$0xFFFFFFD0]  }
0x8c: {  	v30 =	vadd.s32 $0x4E20, v12;
	v23 =	vld.idx.msk [tilespmem:v23+s2+$0x0], $0xffff  }
0x8d: {  	v31 =	vadd.s32 $0x7530, v2;
	v6 =	vld.idx.msk [tilespmem:v7+s2+$0x0], $0xffff  }
0x8e: {  	v32 =	vadd.s32 $0x4E20, v13;
	v18 =	vadd.f32 v18, v19;
	v25 =	vld.idx.msk [tilespmem:v25+s2+$0x0], $0xffff  }
0x8f: {  	v19 =	vadd.s32 $0x7530, v4;
	v27 =	vld.idx.msk [tilespmem:v27+s2+$0x0], $0xffff  }
0x90: {  	v21 =	vadd.f32 v26, v21;
	v26 =	vmul.f32 $2.000000030e-01, v18;
	v33 =	vadd.s32 $0x4E20, v28;
	v29 =	vld.idx.msk [tilespmem:v29+s2+$0x0], $0xffff  }
0x91: {  	v34 =	vadd.s32 $0x7530, v3;
	vm0 =	vge.f32 v18, $0.0e+00;
	v30 =	vld.idx.msk [tilespmem:v30+s2+$0x0], $0xffff  }
0x92: {  	v35 =	vadd.s32 $0x2710, v12;
	v36 =	vmul.f32 $2.000000030e-01, v21;
	v18 =	vsel vm0, v18, v26;
	v31 =	vld.idx.msk [tilespmem:v31+s2+$0x0], $0xffff  }
0x93: {  	v26 =	vadd.s32 $0x2710, v13;
	vm0 =	vge.f32 v21, $0.0e+00;
	v18 =	vmul.f32 $1.442695020e+00, v18;
	v32 =	vld.idx.msk [tilespmem:v32+s2+$0x0], $0xffff  }
0x94: {  	v23 =	vadd.f32 v23, v25;
	v21 =	vsel vm0, v21, v36;
	v19 =	vld.idx.msk [tilespmem:v19+s2+$0x0], $0xffff  }
0x95: {  	v21 =	vmul.f32 $1.442695020e+00, v21;
	v25 =	vld.idx.msk [tilespmem:v33+s2+$0x0], $0xffff;
	v33 =	vadd.s32 $0x5000, v14  }
0x96: {  	v15 =	vadd.s32 $0x2710, v15;
	v36 =	vmul.f32 $2.000000030e-01, v23;
	v34 =	vld.idx.msk [tilespmem:v34+s2+$0x0], $0xffff;
	(erf) = vpow2.f32 v18  }
0x97: {  	vm0 =	vge.f32 v23, $0.0e+00;
	v18 =	vadd.f32 v29, v30;
	v29 =	vadd.s32 $0x2710, v17;
	v24 =	vld.idx.msk [tilespmem:v24+s2+$0x0], $0xffff  }
0x98: {  	v7 =	vadd.s32 $0x2710, v7;
	v23 =	vsel vm0, v23, v36;
	v30 =	vld.idx.msk [tilespmem:v35+s2+$0x0], $0xffff;
	v35 =	vadd.s32 $0x2710, v20  }
0x99: {  	v31 =	vadd.f32 v31, v32;
	v32 =	vmul.f32 $2.000000030e-01, v18;
	v23 =	vmul.f32 $1.442695020e+00, v23;
	v26 =	vld.idx.msk [tilespmem:v26+s2+$0x0], $0xffff  }
0x9a: {  	v36 =	vadd.s32 $0x2710, v28;
	vm0 =	vge.f32 v18, $0.0e+00;
	v20 =	vld.idx.msk [tilespmem:v20+s2+$0x0], $0xffff;
	(erf) = vpow2.f32 v21  }
0x9b: {  	v19 =	vadd.f32 v19, v25;
	vm1 =	vge.f32 v31, $0.0e+00;
	v18 =	vsel vm0, v18, v32;
	v15 =	vld.idx.msk [tilespmem:v15+s2+$0x0], $0xffff  }
0x9c: {  	v21 =	vmul.f32 $2.000000030e-01, v31;
	v16 =	vadd.f32 v34, v16;
	v32 =	vmul.f32 $1.442695020e+00, v18;
	v17 =	vld.idx.msk [tilespmem:v17+s2+$0x0], $0xffff  }
0x9d: {  	v25 =	vmul.f32 $2.000000030e-01, v19;
	v24 =	vadd.f32 v24, v27;
	v7 =	vld.idx.msk [tilespmem:v7+s2+$0x0], $0xffff;
	(erf) = vpow2.f32 v23  }
0x9e: {  	vm0 =	vge.f32 v19, $0.0e+00;
	v21 =	vsel vm1, v31, v21;
	v27 =	vadd.s32 $0x2800, v14;
	v23 =	vld.idx.msk [tilespmem:v29+s2+$0x0], $0xffff  }
0x9f: {  	v29 =	vmul.f32 $2.000000030e-01, v16;
	v19 =	vsel vm0, v19, v25;
	v31 =	vld.idx.msk [tilespmem:v36+s2+$0x0], $0xffff;
	(erf) = vpow2.f32 v32;
	v18 =	vpop (erf)  }
0xa0: {  	vm0 =	vge.f32 v16, $0.0e+00;
	v19 =	vmul.f32 $1.442695020e+00, v19;
	[tilespmem:v14+s11+$0x0] =	vst.idx.add.f32.msk $0xffff, v18;
	v14 =	vmul.f32 v18, v22  }
0xa1: {  	v21 =	vmul.f32 $1.442695020e+00, v21;
	v16 =	vsel vm0, v16, v29;
	v22 =	vmul.f32 $2.000000030e-01, v24;
	v25 =	vld.idx.msk [tilespmem:v35+s2+$0x0], $0xffff  }
0xa2: {  	vm0 =	vge.f32 v24, $0.0e+00;
	v15 =	vmul.f32 v18, v15;
	v12 =	vld.idx.msk [tilespmem:v12+s2+$0x0], $0xffff;
	(erf) = vpow2.f32 v19  }
0xa3: {  	v29 =	vmul.f32 $1.442695020e+00, v16;
	v19 =	vld.idx.msk [tilespmem:v13+s2+$0x0], $0xffff;
	v13 =	vsel vm0, v24, v22;
	(erf) = vpow2.f32 v21;
	v18 =	vpop (erf)  }
0xa4: {  	v21 =	vmul.f32 $1.442695020e+00, v13;
	v13 =	vadd.s32 $0x2800, v10;
	[tilespmem:v27+s11+$0x0] =	vst.idx.add.f32.msk $0xffff, v14  }
0xa5: {  	[tilespmem:v33+s11+$0x0] =	vst.idx.add.f32.msk $0xffff, v15;
	(erf) = vpow2.f32 v29  }
0xa6: {  	v15 =	vadd.s32 $0x5000, v10;
	v14 =	vld.idx.msk [tilespmem:v28+s2+$0x0], $0xffff;
	v16 =	vpop (erf)  }
0xa7: {  	[tilespmem:v10+s11+$0x0] =	vst.idx.add.f32.msk $0xffff, v16;
	v10 =	vmul.f32 v16, v20;
	v20 =	vadd.s32 $0x2800, v11  }
0xa8: {  	v22 =	vadd.s32 $0x5000, v11;
	v16 =	vmul.f32 v16, v25;
	[tilespmem:v11+s11+$0x0] =	vst.idx.add.f32.msk $0xffff, v18;
	v11 =	vpop (erf)  }
0xa9: {  	v25 =	vadd.s32 $0x2800, v8;
	v24 =	vmul.f32 v11, v12;
	v27 =	vmul.f32 v11, v30;
	[tilespmem:v13+s11+$0x0] =	vst.idx.add.f32.msk $0xffff, v10  }
0xaa: {  	v28 =	vadd.s32 $0x5000, v8;
	[tilespmem:v8+s11+$0x0] =	vst.idx.add.f32.msk $0xffff, v11;
	v8 =	vmul.f32 v18, v17  }
.Ltmp1:
0xab: {  	v10 =	vmul.f32 v18, v23;
	[tilespmem:v15+s11+$0x0] =	vst.idx.add.f32.msk $0xffff, v16;
	v13 =	vpop (erf);
	(pc) =	sbr.rel @p0 .LBB2_4-.Ltmp1, $4  }
0xac: {  	v11 =	vmul.f32 v13, v14;
	[tilespmem:v20+s11+$0x0] =	vst.idx.add.f32.msk $0xffff, v8;
	v18 =	vpop (erf)  }
0xad: {  	v15 =	vadd.s32 $0x2800, v4;
	v12 =	vmul.f32 v13, v31;
	v16 =	vmul.f32 v18, v19;
	[tilespmem:v22+s11+$0x0] =	vst.idx.add.f32.msk $0xffff, v10  }
0xae: {  	v17 =	vadd.s32 $0x2800, v2;
	v10 =	vmul.f32 v18, v26;
	[tilespmem:v25+s11+$0x0] =	vst.idx.add.f32.msk $0xffff, v24;
	v14 =	vpop (erf);
	(erf) = vpow2.f32 v21  }
0xaf: {  	v8 =	vmul.f32 v14, v9;
	v9 =	vadd.s32 $0x5000, v4;
	[tilespmem:v28+s11+$0x0] =	vst.idx.add.f32.msk $0xffff, v27  }
0xb0: {  	_ =	sdelay $0x3  }
0xb1: {  	[tilespmem:v2+s11+$0x0] =	vst.idx.add.f32.msk $0xffff, v18  }
0xb2: {  	[tilespmem:v4+s11+$0x0] =	vst.idx.add.f32.msk $0xffff, v13;
	v2 =	vadd.s32 $0x5000, v2  }
0xb3: {  	v55 =	vadd.s32 $0x2800, v3;
	[tilespmem:v3+s11+$0x0] =	vst.idx.add.f32.msk $0xffff, v14  }
0xb4: {  	v56 =	vadd.s32 $0x5000, v3;
	[tilespmem:v15+s11+$0x0] =	vst.idx.add.f32.msk $0xffff, v11  }
0xb5: {  	[tilespmem:v17+s11+$0x0] =	vst.idx.add.f32.msk $0xffff, v16  }
0xb6: {  	v3 =	vadd.s32 $0x2800, v1;
	[tilespmem:v9+s11+$0x0] =	vst.idx.add.f32.msk $0xffff, v12  }
0xb7: {  	v5 =	vmul.f32 v14, v5;
	[tilespmem:v2+s11+$0x0] =	vst.idx.add.f32.msk $0xffff, v10;
	v2 =	vadd.s32 $0x5000, v1  }
0xb8: {  	[tilespmem:v55+s11+$0x0] =	vst.idx.add.f32.msk $0xffff, v8;
	v57 =	vpop (erf)  }
0xb9: {  	[tilespmem:v56+s11+$0x0] =	vst.idx.add.f32.msk $0xffff, v5;
	v58 =	vmul.f32 v57, v6  }
0xba: {  	v59 =	vmul.f32 v57, v7;
	[tilespmem:v1+s11+$0x0] =	vst.idx.add.f32.msk $0xffff, v57  }
0xbb: {  	[tilespmem:v3+s11+$0x0] =	vst.idx.add.f32.msk $0xffff, v58  }
0xbc: {  	[tilespmem:v2+s11+$0x0] =	vst.idx.add.f32.msk $0xffff, v59  }
0xbd: {  	v1 =	vld [tilespmem:$0x13B80]  }
0xbe: {  	v2 =	vld [tilespmem:$0x16300];
	_ =	sdelay $0x3  }
0xbf: {  	v3 =	vadd.s32 $0x4E20, v1  }
0xc0: {  	v60 =	vadd.s32 $0x7530, v2;
	_ =	sdelay $0x3  }
0xc1: {  	v3 =	vld.idx.msk [tilespmem:v3+s2+$0x0], $0xffff  }
0xc2: {  	v4 =	vld.idx.msk [tilespmem:v60+s2+$0x0], $0xffff;
	_ =	sdelay $0x4  }
0xc3: {  	v3 =	vadd.f32 v4, v3;
	_ =	sdelay $0x1  }
0xc4: {  	v4 =	vmul.f32 $2.000000030e-01, v3  }
0xc5: {  	vm0 =	vge.f32 v3, $0.0e+00  }
0xc6: {  	v3 =	vsel vm0, v3, v4  }
0xc7: {  	v3 =	vmul.f32 $1.442695020e+00, v3;
	_ =	sdelay $0x1  }
0xc8: {  	(erf) = vpow2.f32 v3  }
0xc9: {  	v3 =	vadd.s32 $0x2710, v1;
	_ =	sdelay $0x3  }
0xca: {  	v1 =	vld.idx.msk [tilespmem:v1+s2+$0x0], $0xffff  }
0xcb: {  	v3 =	vld.idx.msk [tilespmem:v3+s2+$0x0], $0xffff  }
0xcc: {  	v61 =	vadd.s32 $0x2800, v2  }
0xcd: {  	v62 =	vadd.s32 $0x5000, v2  }
0xce: {  	v63 =	vpop (erf)  }
0xcf: {  	v1 =	vmul.f32 v63, v1  }
0xd0: {  	s15 =	sadd.s32 $0x1, s15;
	[tilespmem:v2+s11+$0x0] =	vst.idx.add.f32.msk $0xffff, v63;
	v2 =	vmul.f32 v63, v3  }
0xd1: {  	p0 =	sne.s32 s15, s7;
	[tilespmem:v61+s11+$0x0] =	vst.idx.add.f32.msk $0xffff, v1  }
.Ltmp2:
0xd2: {  	[tilespmem:v62+s11+$0x0] =	vst.idx.add.f32.msk $0xffff, v2;
	(pc) =	sbr.rel @p0 .LBB2_1-.Ltmp2, $4  }
0xd3: {  	[hbm4b:s6+s12] =	stream.strided.scatter [tilespmem:s11], [sflag:$0x2], $0x7800, s13, s12, $0x38;
	[tilespmem:$0x16380] =	vst v63  }
0xd4: {  	_ =	swait.ge [sflag:s14], $0x7800  }
0xd5: {  	[sflag:s14] =	ssyncset.done $0x0  }
0xd6: {  	[sflag:s14] =	ssyncadd.s32 $0xFFFF8800  }
0xd7: {  	_ =	sfence.sel $0x180000  }
0xd8: {  	[bflag:$0x0] =	sbarrier.arrive $0xFFFF  }
0xd9: {  	p0 =	sne.s32 s0, $0x0;
	_ =	strace $0x90000047  }
0xda: {  	s0 =	sadd.s32 @!p0 $0x100000, s1;
	[bflag:$0x2] =	sbarrier.arrive $0xFFFF  }
0xdb: {  	[sflag:s0] =	ssyncadd.tile.s32 @!p0 $0x1;
	_ =	shalt  }
.Lfunc_end2:
_tile_overlayer_lowered:
.L_overlay_start_2:
0xdc: {  	(tag) =	ssettag $0x2  }
0xdd: {  	s0 =	rddreg [dreg:$0x0];
	s2 =	stileid.u32  }
0xde: {  	s1 =	rddreg [dreg:$0x1];
	p0 =	sne.s32 s2, $0x0  }
0xdf: {  	s3 =	rddreg [dreg:$0x2];
	[bflag:$0x3] =	sbarrier.arrive $0xFFFF;
	s2 =	simm.s32 @!p0 $0x1C02  }
0xe0: {  	[timem:s3], [sflag:s2] =	dma.local @!p0 [hbm:s0], s1  }
0xe1: {  	s0 =	simm.s32 @!p0 $0x2  }
0xe2: {  	_ =	swait.ge @!p0 [sflag:s0], s1  }
0xe3: {  	s1 =	ssub.s32 @!p0 $0x0, s1;
	[sflag:s0] =	ssyncset.done @!p0 $0x0  }
0xe4: {  	[sflag:s0] =	ssyncadd.s32 @!p0 s1  }
0xe5: {  	[bflag:$0x3] =	sbarrier.arrive $0xFFFF  }
0xe6: {  	_ =	shalt  }

</sc_bundles>
